<compile_context>
chip_gen: v7x
topology: tpu7x:2x2x1
jax: 0.10.2.dev20260603
libtpu: 0.0.44.dev20260713+nightly
codegen_flags: <defaults>
</compile_context>

<pallas_src>
import functools

import jax
import jax.numpy as jnp
from jax import lax
from jax.experimental import pallas as pl
from jax.experimental.pallas import tpu as pltpu
from jax.experimental.pallas import tpu_sc as plsc

_N, _D, _E = 10000, 128, 320000

_NC, _NS = 2, 16
_NW = _NC * _NS
_EPW = _E // _NW
_CHUNK = 128
_EPWP = 10240
_NCH = _EPWP // _CHUNK
_NP = 10240
_ROWS_PT = _NP // _NS


def _sc_agg_body(src_hbm, dst_hbm, x_hbm, zero_hbm, out_hbm,
                 src_v, dst_v, rows_v, agg_sh, gsem):
    c = lax.axis_index("c")
    s = lax.axis_index("s")
    wid = s * _NC + c
    r0 = s * _ROWS_PT

    pltpu.sync_copy(zero_hbm.at[pl.ds(r0, _ROWS_PT)],
                    agg_sh.at[pl.ds(r0, _ROWS_PT)])
    pltpu.sync_copy(src_hbm.at[wid], src_v)
    pltpu.sync_copy(dst_hbm.at[wid], dst_v)
    plsc.subcore_barrier()

    def body(j, carry):
        pltpu.async_copy(x_hbm.at[src_v.at[j]], rows_v, gsem).wait()
        pltpu.sync_copy(rows_v, agg_sh.at[dst_v.at[j]], add=True)
        return carry

    lax.fori_loop(0, _NCH, body, 0)
    plsc.subcore_barrier()

    pltpu.sync_copy(agg_sh.at[pl.ds(r0, _ROWS_PT)],
                    out_hbm.at[c, pl.ds(r0, _ROWS_PT)])


@functools.cache
def _sc_agg():
    return pl.kernel(
        _sc_agg_body,
        mesh=plsc.VectorSubcoreMesh(core_axis_name="c",
                                    subcore_axis_name="s",
                                    num_cores=_NC, num_subcores=_NS),
        out_type=jax.ShapeDtypeStruct((_NC, _NP, _D), jnp.float32),
        scratch_types=[
            pltpu.VMEM((_NCH, _CHUNK), jnp.int32),
            pltpu.VMEM((_NCH, _CHUNK), jnp.int32),
            pltpu.VMEM((_CHUNK, _D), jnp.float32),
            pltpu.VMEM_SHARED((_NP, _D), jnp.float32),
            pltpu.SemaphoreType.DMA,
        ],
    )


_BR = 1000


def _mlp_body(eps_ref, x_ref, agg_ref, w1_ref, b1_ref, w2_ref, b2_ref,
              g_ref, bt_ref, o_ref):
    h = x_ref[...] * (1.0 + eps_ref[0]) + agg_ref[0] + agg_ref[1]
    h = jnp.dot(h, w1_ref[...], preferred_element_type=jnp.float32)
    h = h + b1_ref[...]
    h = 0.5 * h * (1.0 + lax.erf(h * 0.7071067811865476))
    h = jnp.dot(h, w2_ref[...], preferred_element_type=jnp.float32)
    h = h + b2_ref[...]
    m = jnp.mean(h, axis=-1, keepdims=True)
    v = jnp.mean(jnp.square(h - m), axis=-1, keepdims=True)
    o_ref[...] = (h - m) * lax.rsqrt(v + 1e-5) * g_ref[...] + bt_ref[...]


def _mlp(x, agg, w1, b1, w2, b2, gamma, beta, eps):
    grid = (_N // _BR,)
    return pl.pallas_call(
        _mlp_body,
        grid=grid,
        in_specs=[
            pl.BlockSpec(memory_space=pltpu.SMEM),
            pl.BlockSpec((_BR, _D), lambda i: (i, 0)),
            pl.BlockSpec((_NC, _BR, _D), lambda i: (0, i, 0)),
            pl.BlockSpec((_D, 2 * _D), lambda i: (0, 0)),
            pl.BlockSpec((1, 2 * _D), lambda i: (0, 0)),
            pl.BlockSpec((2 * _D, _D), lambda i: (0, 0)),
            pl.BlockSpec((1, _D), lambda i: (0, 0)),
            pl.BlockSpec((1, _D), lambda i: (0, 0)),
            pl.BlockSpec((1, _D), lambda i: (0, 0)),
        ],
        out_specs=pl.BlockSpec((_BR, _D), lambda i: (i, 0)),
        out_shape=jax.ShapeDtypeStruct((_N, _D), jnp.float32),
    )(eps, x, agg, w1, b1, w2, b2, gamma, beta)


def kernel(x, edge_index, W1, b1, W2, b2, eps, gamma, beta):
    pad = _EPWP - _EPW
    src = jnp.pad(edge_index[0].astype(jnp.int32).reshape(_NW, _EPW),
                  ((0, 0), (0, pad))).reshape(_NW, _NCH, _CHUNK)
    dst = jnp.pad(edge_index[1].astype(jnp.int32).reshape(_NW, _EPW),
                  ((0, 0), (0, pad)),
                  constant_values=_N).reshape(_NW, _NCH, _CHUNK)
    zeros = jnp.zeros((_NP, _D), jnp.float32)
    agg = _sc_agg()(src, dst, x, zeros)
    eps_arr = jnp.reshape(eps, (1,)).astype(jnp.float32)
    return _mlp(x, agg, W1, jnp.reshape(b1, (1, 2 * _D)), W2,
                jnp.reshape(b2, (1, _D)), jnp.reshape(gamma, (1, _D)),
                jnp.reshape(beta, (1, _D)), eps_arr)

# --- scband reference (transcript-rebuilt; emitter-appended) ---
"""Pipeline reference for scband-spatial-ginconv-85143431675969 (READ-ONLY COPY).

The authoritative reference and input builder live on the scoring server;
editing this copy changes nothing except your own understanding.
"""

import jax, jax.numpy as jnp
import numpy as np

N, D, E = 10000, 128, 320000

def setup_inputs(seed: int = 0) -> dict:
    key = jax.random.key(seed)
    ks = jax.random.split(key, 8)
    x = jax.random.normal(ks[0], (N, D), dtype=jnp.float32)
    edge_index = jax.random.randint(ks[1], (2, E), 0, N, dtype=jnp.int64)
    W1 = jax.random.normal(ks[2], (D, 2 * D), dtype=jnp.float32) * 0.05
    b1 = jnp.zeros((2 * D,), dtype=jnp.float32)
    W2 = jax.random.normal(ks[3], (2 * D, D), dtype=jnp.float32) * 0.05
    b2 = jnp.zeros((D,), dtype=jnp.float32)
    eps = jnp.array(0.0, dtype=jnp.float32)
    gamma = jnp.ones((D,), dtype=jnp.float32)
    beta = jnp.zeros((D,), dtype=jnp.float32)
    return {"x": x, "edge_index": edge_index, "W1": W1, "b1": b1, "W2": W2, "b2": b2, "eps": eps, "gamma": gamma, "beta": beta}

def reference(x, edge_index, W1, b1, W2, b2, eps, gamma, beta):
    src = edge_index[0]
    dst = edge_index[1]
    # GIN aggregation: sum of source-node features at each destination node
    agg = jax.ops.segment_sum(jnp.take(x, src, axis=0), dst, num_segments=x.shape[0])
    h = (1.0 + eps) * x + agg
    # MLP: Linear(D, 2D) -> GELU (exact, matching torch nn.GELU default) -> Linear(2D, D)
    h = h @ W1 + b1
    h = jax.nn.gelu(h, approximate=False)
    h = h @ W2 + b2
    # LayerNorm over last dim, eps=1e-5 (torch default)
    mean = jnp.mean(h, axis=-1, keepdims=True)
    var = jnp.mean((h - mean) ** 2, axis=-1, keepdims=True)
    out = (h - mean) / jnp.sqrt(var + 1e-5) * gamma + beta
    return out

if __name__ == "__main__":
    import jax
    _d = setup_inputs()
    print(jax.jit(kernel)(*tuple(_d.values())))

</pallas_src>

<mosaic_0001>
#map = affine_map<(d0, d1) -> (0, 0, 0)>
#map1 = affine_map<(d0, d1) -> (0, 0)>
module attributes {stable_mosaic.version = 14 : i64} {
  func.func @_sc_agg_body(%arg0: i32, %arg1: i32, %arg2: memref<32x80x128xi32, #tpu.memory_space<hbm>>, %arg3: memref<32x80x128xi32, #tpu.memory_space<hbm>>, %arg4: memref<10000x128xf32, #tpu.memory_space<hbm>>, %arg5: memref<10240x128xf32, #tpu.memory_space<hbm>>, %arg6: memref<2x10240x128xf32, #tpu.memory_space<hbm>>, %arg7: memref<80x128xi32, #tpu.memory_space<vmem>>, %arg8: memref<80x128xi32, #tpu.memory_space<vmem>>, %arg9: memref<128x128xf32, #tpu.memory_space<vmem>>, %arg10: memref<10240x128xf32, #tpu.memory_space<vmem_shared>>, %arg11: memref<!tpu.dma_semaphore, #tpu.memory_space<semaphore_mem>>) attributes {dimension_semantics = [#tpu.dimension_semantics<core_parallel>, #tpu.dimension_semantics<subcore_parallel>], iteration_bounds = array<i64: 2, 16>, scalar_prefetch = 0 : i64, scratch_operands = 5 : i64, tpu.core_type = #tpu.core_type<sc_vector_subcore>, window_params = [{transform_indices = #map}, {transform_indices = #map}, {transform_indices = #map1}, {transform_indices = #map1}, {transform_indices = #map}]} {
    %mul3A = arith.constant 2 : i32
    %mul3A_0 = arith.muli %arg1, %mul3A : i32
    %add3A = arith.addi %mul3A_0, %arg0 : i32
    %mul3A_1 = arith.constant 640 : i32
    %mul3A_2 = arith.muli %arg1, %mul3A_1 : i32
    "tpu.region"() ({
      %run_scoped3A = tpu.sem_alloc : memref<!tpu.dma_semaphore, #tpu.memory_space<semaphore_mem>>
      %dma_start3A = arith.constant 0 : i32
      %dma_start3A_9 = tpu.memref_slice %arg10[%mul3A_2, %dma_start3A] : memref<10240x128xf32, #tpu.memory_space<vmem_shared>> -> memref<640x128xf32, #tpu.memory_space<vmem_shared>>
      %dma_start3A_10 = arith.constant 0 : i32
      %dma_start3A_11 = tpu.memref_slice %arg5[%mul3A_2, %dma_start3A_10] : memref<10240x128xf32, #tpu.memory_space<hbm>> -> memref<640x128xf32, #tpu.memory_space<hbm>>
      tpu.enqueue_dma source(%dma_start3A_11 : memref<640x128xf32, #tpu.memory_space<hbm>>) target(%dma_start3A_9 : memref<640x128xf32, #tpu.memory_space<vmem_shared>>) target_semaphore(%run_scoped3A : memref<!tpu.dma_semaphore, #tpu.memory_space<semaphore_mem>>)
      %dma_wait3A = arith.constant 0 : i32
      %dma_wait3A_12 = tpu.memref_slice %arg10[%mul3A_2, %dma_wait3A] : memref<10240x128xf32, #tpu.memory_space<vmem_shared>> -> memref<640x128xf32, #tpu.memory_space<vmem_shared>>
      %dma_wait3A_13 = arith.constant 0 : i32
      %dma_wait3A_14 = tpu.memref_slice %arg5[%mul3A_2, %dma_wait3A_13] : memref<10240x128xf32, #tpu.memory_space<hbm>> -> memref<640x128xf32, #tpu.memory_space<hbm>>
      tpu.wait_dma2 semaphore(%run_scoped3A : memref<!tpu.dma_semaphore, #tpu.memory_space<semaphore_mem>>) src(%dma_wait3A_14 : memref<640x128xf32, #tpu.memory_space<hbm>>) dst(%dma_wait3A_12 : memref<640x128xf32, #tpu.memory_space<vmem_shared>>)
      tpu.yield
    }) : () -> ()
    "tpu.region"() ({
      %run_scoped3A = tpu.sem_alloc : memref<!tpu.dma_semaphore, #tpu.memory_space<semaphore_mem>>
      %dma_start3A = arith.constant 0 : i32
      %dma_start3A_9 = arith.constant 0 : i32
      %dma_start3A_10 = tpu.memref_slice %arg2[%add3A, %dma_start3A, %dma_start3A_9] : memref<32x80x128xi32, #tpu.memory_space<hbm>> -> memref<1x80x128xi32, #tpu.memory_space<hbm>>
      %dma_start3A_11 = tpu.memref_squeeze %dma_start3A_10 : memref<1x80x128xi32, #tpu.memory_space<hbm>> -> memref<80x128xi32, #tpu.memory_space<hbm>>
      %dma_start3A_12 = arith.constant 0 : i32
      %dma_start3A_13 = arith.constant 0 : i32
      %dma_start3A_14 = tpu.memref_slice %arg2[%add3A, %dma_start3A_12, %dma_start3A_13] : memref<32x80x128xi32, #tpu.memory_space<hbm>> -> memref<1x80x128xi32, #tpu.memory_space<hbm>>
      %dma_start3A_15 = tpu.memref_squeeze %dma_start3A_14 : memref<1x80x128xi32, #tpu.memory_space<hbm>> -> memref<80x128xi32, #tpu.memory_space<hbm>>
      tpu.enqueue_dma source(%dma_start3A_15 : memref<80x128xi32, #tpu.memory_space<hbm>>) target(%arg7 : memref<80x128xi32, #tpu.memory_space<vmem>>) target_semaphore(%run_scoped3A : memref<!tpu.dma_semaphore, #tpu.memory_space<semaphore_mem>>)
      %dma_wait3A = arith.constant 0 : i32
      %dma_wait3A_16 = arith.constant 0 : i32
      %dma_wait3A_17 = tpu.memref_slice %arg2[%add3A, %dma_wait3A, %dma_wait3A_16] : memref<32x80x128xi32, #tpu.memory_space<hbm>> -> memref<1x80x128xi32, #tpu.memory_space<hbm>>
      %dma_wait3A_18 = tpu.memref_squeeze %dma_wait3A_17 : memref<1x80x128xi32, #tpu.memory_space<hbm>> -> memref<80x128xi32, #tpu.memory_space<hbm>>
      %dma_wait3A_19 = arith.constant 0 : i32
      %dma_wait3A_20 = arith.constant 0 : i32
      %dma_wait3A_21 = tpu.memref_slice %arg2[%add3A, %dma_wait3A_19, %dma_wait3A_20] : memref<32x80x128xi32, #tpu.memory_space<hbm>> -> memref<1x80x128xi32, #tpu.memory_space<hbm>>
      %dma_wait3A_22 = tpu.memref_squeeze %dma_wait3A_21 : memref<1x80x128xi32, #tpu.memory_space<hbm>> -> memref<80x128xi32, #tpu.memory_space<hbm>>
      tpu.wait_dma2 semaphore(%run_scoped3A : memref<!tpu.dma_semaphore, #tpu.memory_space<semaphore_mem>>) src(%dma_wait3A_22 : memref<80x128xi32, #tpu.memory_space<hbm>>) dst(%arg7 : memref<80x128xi32, #tpu.memory_space<vmem>>)
      tpu.yield
    }) : () -> ()
    "tpu.region"() ({
      %run_scoped3A = tpu.sem_alloc : memref<!tpu.dma_semaphore, #tpu.memory_space<semaphore_mem>>
      %dma_start3A = arith.constant 0 : i32
      %dma_start3A_9 = arith.constant 0 : i32
      %dma_start3A_10 = tpu.memref_slice %arg3[%add3A, %dma_start3A, %dma_start3A_9] : memref<32x80x128xi32, #tpu.memory_space<hbm>> -> memref<1x80x128xi32, #tpu.memory_space<hbm>>
      %dma_start3A_11 = tpu.memref_squeeze %dma_start3A_10 : memref<1x80x128xi32, #tpu.memory_space<hbm>> -> memref<80x128xi32, #tpu.memory_space<hbm>>
      %dma_start3A_12 = arith.constant 0 : i32
      %dma_start3A_13 = arith.constant 0 : i32
      %dma_start3A_14 = tpu.memref_slice %arg3[%add3A, %dma_start3A_12, %dma_start3A_13] : memref<32x80x128xi32, #tpu.memory_space<hbm>> -> memref<1x80x128xi32, #tpu.memory_space<hbm>>
      %dma_start3A_15 = tpu.memref_squeeze %dma_start3A_14 : memref<1x80x128xi32, #tpu.memory_space<hbm>> -> memref<80x128xi32, #tpu.memory_space<hbm>>
      tpu.enqueue_dma source(%dma_start3A_15 : memref<80x128xi32, #tpu.memory_space<hbm>>) target(%arg8 : memref<80x128xi32, #tpu.memory_space<vmem>>) target_semaphore(%run_scoped3A : memref<!tpu.dma_semaphore, #tpu.memory_space<semaphore_mem>>)
      %dma_wait3A = arith.constant 0 : i32
      %dma_wait3A_16 = arith.constant 0 : i32
      %dma_wait3A_17 = tpu.memref_slice %arg3[%add3A, %dma_wait3A, %dma_wait3A_16] : memref<32x80x128xi32, #tpu.memory_space<hbm>> -> memref<1x80x128xi32, #tpu.memory_space<hbm>>
      %dma_wait3A_18 = tpu.memref_squeeze %dma_wait3A_17 : memref<1x80x128xi32, #tpu.memory_space<hbm>> -> memref<80x128xi32, #tpu.memory_space<hbm>>
      %dma_wait3A_19 = arith.constant 0 : i32
      %dma_wait3A_20 = arith.constant 0 : i32
      %dma_wait3A_21 = tpu.memref_slice %arg3[%add3A, %dma_wait3A_19, %dma_wait3A_20] : memref<32x80x128xi32, #tpu.memory_space<hbm>> -> memref<1x80x128xi32, #tpu.memory_space<hbm>>
      %dma_wait3A_22 = tpu.memref_squeeze %dma_wait3A_21 : memref<1x80x128xi32, #tpu.memory_space<hbm>> -> memref<80x128xi32, #tpu.memory_space<hbm>>
      tpu.wait_dma2 semaphore(%run_scoped3A : memref<!tpu.dma_semaphore, #tpu.memory_space<semaphore_mem>>) src(%dma_wait3A_22 : memref<80x128xi32, #tpu.memory_space<hbm>>) dst(%arg8 : memref<80x128xi32, #tpu.memory_space<vmem>>)
      tpu.yield
    }) : () -> ()
    %barrier3A = arith.constant 0 : index
    tpu.barrier barrier_id(%barrier3A)
    %scan3A = arith.constant 0 : i32
    %scan3A_3 = arith.constant 0 : i32
    %scan3A_4 = arith.constant 80 : i32
    %scan3A_5 = arith.addi %scan3A_3, %scan3A_4 : i32
    %scan3A_6 = arith.constant 1 : i32
    scf.for %scan3A_9 = %scan3A_3 to %scan3A_5 step %scan3A_6  : i32 {
      %dma_start3A = arith.constant 0 : i32
      %dma_start3A_10 = tpu.memref_slice %arg7[%scan3A_9, %dma_start3A] : memref<80x128xi32, #tpu.memory_space<vmem>> -> memref<1x128xi32, #tpu.memory_space<vmem>>
      %dma_start3A_11 = tpu.memref_squeeze %dma_start3A_10 : memref<1x128xi32, #tpu.memory_space<vmem>> -> memref<128xi32, #tpu.memory_space<vmem>>
      %dma_start3A_12 = arith.constant 0 : i32
      %dma_start3A_13 = arith.constant 0 : i32
      %dma_start3A_14 = tpu.memref_slice %arg4[%dma_start3A_12, %dma_start3A_13] : memref<10000x128xf32, #tpu.memory_space<hbm>> -> memref<10000x128xf32, #tpu.memory_space<hbm>>
      tpu.enqueue_indirect_dma source(%dma_start3A_14 : memref<10000x128xf32, #tpu.memory_space<hbm>>) target(%arg9 : memref<128x128xf32, #tpu.memory_space<vmem>>) offsets(%dma_start3A_11 : memref<128xi32, #tpu.memory_space<vmem>>) semaphore(%arg11 : memref<!tpu.dma_semaphore, #tpu.memory_space<semaphore_mem>>)
      %dma_wait3A = arith.constant 0 : i32
      %dma_wait3A_15 = tpu.memref_slice %arg7[%scan3A_9, %dma_wait3A] : memref<80x128xi32, #tpu.memory_space<vmem>> -> memref<1x128xi32, #tpu.memory_space<vmem>>
      %dma_wait3A_16 = tpu.memref_squeeze %dma_wait3A_15 : memref<1x128xi32, #tpu.memory_space<vmem>> -> memref<128xi32, #tpu.memory_space<vmem>>
      %dma_wait3A_17 = arith.constant 0 : i32
      %dma_wait3A_18 = arith.constant 0 : i32
      %dma_wait3A_19 = tpu.memref_slice %arg4[%dma_wait3A_17, %dma_wait3A_18] : memref<10000x128xf32, #tpu.memory_space<hbm>> -> memref<10000x128xf32, #tpu.memory_space<hbm>>
      tpu.wait_indirect_dma semaphore(%arg11 : memref<!tpu.dma_semaphore, #tpu.memory_space<semaphore_mem>>) src(%dma_wait3A_19 : memref<10000x128xf32, #tpu.memory_space<hbm>>) dst(%arg9 : memref<128x128xf32, #tpu.memory_space<vmem>>)
      "tpu.region"() ({
        %run_scoped3A = tpu.sem_alloc : memref<!tpu.dma_semaphore, #tpu.memory_space<semaphore_mem>>
        %dma_start3A_20 = arith.constant 0 : i32
        %dma_start3A_21 = tpu.memref_slice %arg8[%scan3A_9, %dma_start3A_20] : memref<80x128xi32, #tpu.memory_space<vmem>> -> memref<1x128xi32, #tpu.memory_space<vmem>>
        %dma_start3A_22 = tpu.memref_squeeze %dma_start3A_21 : memref<1x128xi32, #tpu.memory_space<vmem>> -> memref<128xi32, #tpu.memory_space<vmem>>
        %dma_start3A_23 = arith.constant 0 : i32
        %dma_start3A_24 = arith.constant 0 : i32
        %dma_start3A_25 = tpu.memref_slice %arg10[%dma_start3A_23, %dma_start3A_24] : memref<10240x128xf32, #tpu.memory_space<vmem_shared>> -> memref<10240x128xf32, #tpu.memory_space<vmem_shared>>
        tpu.enqueue_indirect_dma source(%arg9 : memref<128x128xf32, #tpu.memory_space<vmem>>) target(%dma_start3A_25 : memref<10240x128xf32, #tpu.memory_space<vmem_shared>>) offsets(%dma_start3A_22 : memref<128xi32, #tpu.memory_space<vmem>>) semaphore(%run_scoped3A : memref<!tpu.dma_semaphore, #tpu.memory_space<semaphore_mem>>) {add = true}
        %dma_wait3A_26 = arith.constant 0 : i32
        %dma_wait3A_27 = tpu.memref_slice %arg8[%scan3A_9, %dma_wait3A_26] : memref<80x128xi32, #tpu.memory_space<vmem>> -> memref<1x128xi32, #tpu.memory_space<vmem>>
        %dma_wait3A_28 = tpu.memref_squeeze %dma_wait3A_27 : memref<1x128xi32, #tpu.memory_space<vmem>> -> memref<128xi32, #tpu.memory_space<vmem>>
        %dma_wait3A_29 = arith.constant 0 : i32
        %dma_wait3A_30 = arith.constant 0 : i32
        %dma_wait3A_31 = tpu.memref_slice %arg10[%dma_wait3A_29, %dma_wait3A_30] : memref<10240x128xf32, #tpu.memory_space<vmem_shared>> -> memref<10240x128xf32, #tpu.memory_space<vmem_shared>>
        tpu.wait_indirect_dma semaphore(%run_scoped3A : memref<!tpu.dma_semaphore, #tpu.memory_space<semaphore_mem>>) src(%arg9 : memref<128x128xf32, #tpu.memory_space<vmem>>) dst(%dma_wait3A_31 : memref<10240x128xf32, #tpu.memory_space<vmem_shared>>)
        tpu.yield
      }) : () -> ()
    }
    %scan3A_7 = arith.constant 80 : i32
    %barrier3A_8 = arith.constant 0 : index
    tpu.barrier barrier_id(%barrier3A_8)
    "tpu.region"() ({
      %run_scoped3A = tpu.sem_alloc : memref<!tpu.dma_semaphore, #tpu.memory_space<semaphore_mem>>
      %dma_start3A = arith.constant 0 : i32
      %dma_start3A_9 = tpu.memref_slice %arg6[%arg0, %mul3A_2, %dma_start3A] : memref<2x10240x128xf32, #tpu.memory_space<hbm>> -> memref<1x640x128xf32, #tpu.memory_space<hbm>>
      %dma_start3A_10 = tpu.memref_squeeze %dma_start3A_9 : memref<1x640x128xf32, #tpu.memory_space<hbm>> -> memref<640x128xf32, #tpu.memory_space<hbm>>
      %dma_start3A_11 = arith.constant 0 : i32
      %dma_start3A_12 = tpu.memref_slice %arg10[%mul3A_2, %dma_start3A_11] : memref<10240x128xf32, #tpu.memory_space<vmem_shared>> -> memref<640x128xf32, #tpu.memory_space<vmem_shared>>
      tpu.enqueue_dma source(%dma_start3A_12 : memref<640x128xf32, #tpu.memory_space<vmem_shared>>) target(%dma_start3A_10 : memref<640x128xf32, #tpu.memory_space<hbm>>) target_semaphore(%run_scoped3A : memref<!tpu.dma_semaphore, #tpu.memory_space<semaphore_mem>>)
      %dma_wait3A = arith.constant 0 : i32
      %dma_wait3A_13 = tpu.memref_slice %arg6[%arg0, %mul3A_2, %dma_wait3A] : memref<2x10240x128xf32, #tpu.memory_space<hbm>> -> memref<1x640x128xf32, #tpu.memory_space<hbm>>
      %dma_wait3A_14 = tpu.memref_squeeze %dma_wait3A_13 : memref<1x640x128xf32, #tpu.memory_space<hbm>> -> memref<640x128xf32, #tpu.memory_space<hbm>>
      %dma_wait3A_15 = arith.constant 0 : i32
      %dma_wait3A_16 = tpu.memref_slice %arg10[%mul3A_2, %dma_wait3A_15] : memref<10240x128xf32, #tpu.memory_space<vmem_shared>> -> memref<640x128xf32, #tpu.memory_space<vmem_shared>>
      tpu.wait_dma2 semaphore(%run_scoped3A : memref<!tpu.dma_semaphore, #tpu.memory_space<semaphore_mem>>) src(%dma_wait3A_16 : memref<640x128xf32, #tpu.memory_space<vmem_shared>>) dst(%dma_wait3A_14 : memref<640x128xf32, #tpu.memory_space<hbm>>)
      tpu.yield
    }) : () -> ()
    return
  }
}

module attributes {stable_mosaic.version = 14 : i64} {
  func.func @_mlp_body(%arg0: i32, %arg1: memref<1xf32, #tpu.memory_space<smem>>, %arg2: memref<1000x128xf32, #tpu.memory_space<vmem>>, %arg3: memref<2x1000x128xf32, #tpu.memory_space<vmem>>, %arg4: memref<128x256xf32, #tpu.memory_space<vmem>>, %arg5: memref<1x256xf32, #tpu.memory_space<vmem>>, %arg6: memref<256x128xf32, #tpu.memory_space<vmem>>, %arg7: memref<1x128xf32, #tpu.memory_space<vmem>>, %arg8: memref<1x128xf32, #tpu.memory_space<vmem>>, %arg9: memref<1x128xf32, #tpu.memory_space<vmem>>, %arg10: memref<1000x128xf32, #tpu.memory_space<vmem>>) attributes {dimension_semantics = [#tpu.dimension_semantics<arbitrary>], iteration_bounds = array<i64: 10>, scalar_prefetch = 0 : i64, scratch_operands = 0 : i64, tpu.core_type = #tpu.core_type<tc>, window_params = [{transform_indices = @transform_0, window_bounds = array<i64: 1>}, {transform_indices = @transform_1, window_bounds = array<i64: 1000, 128>}, {transform_indices = @transform_2, window_bounds = array<i64: 2, 1000, 128>}, {pipeline_mode = #tpu.pipeline_mode<synchronous>, transform_indices = @transform_3, window_bounds = array<i64: 128, 256>}, {pipeline_mode = #tpu.pipeline_mode<synchronous>, transform_indices = @transform_4, window_bounds = array<i64: 1, 256>}, {pipeline_mode = #tpu.pipeline_mode<synchronous>, transform_indices = @transform_5, window_bounds = array<i64: 256, 128>}, {pipeline_mode = #tpu.pipeline_mode<synchronous>, transform_indices = @transform_6, window_bounds = array<i64: 1, 128>}, {pipeline_mode = #tpu.pipeline_mode<synchronous>, transform_indices = @transform_7, window_bounds = array<i64: 1, 128>}, {pipeline_mode = #tpu.pipeline_mode<synchronous>, transform_indices = @transform_8, window_bounds = array<i64: 1, 128>}, {transform_indices = @transform_9, window_bounds = array<i64: 1000, 128>}]} {
    %get3A = arith.constant 0 : index
    %get3A_0 = arith.constant 0 : index
    %get3A_1 = vector.load %arg2[%get3A, %get3A_0] : memref<1000x128xf32, #tpu.memory_space<vmem>>, vector<1000x128xf32>
    %get3A_2 = arith.constant 0 : index
    %get3A_3 = memref.load %arg1[%get3A_2] : memref<1xf32, #tpu.memory_space<smem>>
    %add3A = arith.constant 1.000000e+00 : f32
    %add3A_4 = arith.addf %add3A, %get3A_3 : f32
    %mul3A = vector.broadcast %add3A_4 : f32 to vector<1000x128xf32>
    %mul3A_5 = arith.mulf %get3A_1, %mul3A : vector<1000x128xf32>
    %get3A_6 = arith.constant 0 : index
    %get3A_7 = arith.constant 0 : index
    %get3A_8 = arith.constant 0 : index
    %get3A_9 = vector.load %arg3[%get3A_6, %get3A_7, %get3A_8] : memref<2x1000x128xf32, #tpu.memory_space<vmem>>, vector<1x1000x128xf32>
    %get3A_10 = vector.shape_cast %get3A_9 : vector<1x1000x128xf32> to vector<1000x128xf32>
    %add3A_11 = arith.addf %mul3A_5, %get3A_10 : vector<1000x128xf32>
    %get3A_12 = arith.constant 1 : index
    %get3A_13 = arith.constant 0 : index
    %get3A_14 = arith.constant 0 : index
    %get3A_15 = vector.load %arg3[%get3A_12, %get3A_13, %get3A_14] : memref<2x1000x128xf32, #tpu.memory_space<vmem>>, vector<1x1000x128xf32>
    %get3A_16 = vector.shape_cast %get3A_15 : vector<1x1000x128xf32> to vector<1000x128xf32>
    %add3A_17 = arith.addf %add3A_11, %get3A_16 : vector<1000x128xf32>
    %get3A_18 = arith.constant 0 : index
    %get3A_19 = arith.constant 0 : index
    %get3A_20 = vector.load %arg4[%get3A_18, %get3A_19] : memref<128x256xf32, #tpu.memory_space<vmem>>, vector<128x256xf32>
    %dot_general3A = arith.constant dense<0.000000e+00> : vector<1000x256xf32>
    %dot_general3A_21 = tpu.matmul %add3A_17, %get3A_20, %dot_general3A {dimension_numbers = #tpu.dot_dimension_numbers<[1], [0], [0], [1], [0, 0, 1, 1], [], []>, transpose_lhs_hint = false} : vector<1000x128xf32>, vector<128x256xf32>, vector<1000x256xf32> -> vector<1000x256xf32>
    %get3A_22 = arith.constant 0 : index
    %get3A_23 = arith.constant 0 : index
    %get3A_24 = vector.load %arg5[%get3A_22, %get3A_23] : memref<1x256xf32, #tpu.memory_space<vmem>>, vector<1x256xf32>
    %add3A_25 = vector.broadcast %get3A_24 : vector<1x256xf32> to vector<1000x256xf32>
    %add3A_26 = arith.addf %dot_general3A_21, %add3A_25 : vector<1000x256xf32>
    %mul3A_27 = arith.constant 5.000000e-01 : f32
    %mul3A_28 = vector.broadcast %mul3A_27 : f32 to vector<1000x256xf32>
    %mul3A_29 = arith.mulf %mul3A_28, %add3A_26 : vector<1000x256xf32>
    %mul3A_30 = arith.constant 0.707106769 : f32
    %mul3A_31 = vector.broadcast %mul3A_30 : f32 to vector<1000x256xf32>
    %mul3A_32 = arith.mulf %add3A_26, %mul3A_31 : vector<1000x256xf32>
    %erf3A = math.erf %mul3A_32 : vector<1000x256xf32>
    %add3A_33 = arith.constant 1.000000e+00 : f32
    %add3A_34 = vector.broadcast %add3A_33 : f32 to vector<1000x256xf32>
    %add3A_35 = arith.addf %add3A_34, %erf3A : vector<1000x256xf32>
    %mul3A_36 = arith.mulf %mul3A_29, %add3A_35 : vector<1000x256xf32>
    %get3A_37 = arith.constant 0 : index
    %get3A_38 = arith.constant 0 : index
    %get3A_39 = vector.load %arg6[%get3A_37, %get3A_38] : memref<256x128xf32, #tpu.memory_space<vmem>>, vector<256x128xf32>
    %dot_general3A_40 = arith.constant dense<0.000000e+00> : vector<1000x128xf32>
    %dot_general3A_41 = tpu.matmul %mul3A_36, %get3A_39, %dot_general3A_40 {dimension_numbers = #tpu.dot_dimension_numbers<[1], [0], [0], [1], [0, 0, 1, 1], [], []>, transpose_lhs_hint = false} : vector<1000x256xf32>, vector<256x128xf32>, vector<1000x128xf32> -> vector<1000x128xf32>
    %get3A_42 = arith.constant 0 : index
    %get3A_43 = arith.constant 0 : index
    %get3A_44 = vector.load %arg7[%get3A_42, %get3A_43] : memref<1x128xf32, #tpu.memory_space<vmem>>, vector<1x128xf32>
    %add3A_45 = vector.broadcast %get3A_44 : vector<1x128xf32> to vector<1000x128xf32>
    %add3A_46 = arith.addf %dot_general3A_41, %add3A_45 : vector<1000x128xf32>
    %reduce_sum3A = arith.constant dense<0.000000e+00> : vector<1000xf32>
    %reduce_sum3A_47 = vector.multi_reduction <add>, %add3A_46, %reduce_sum3A [1] : vector<1000x128xf32> to vector<1000xf32>
    %broadcast_in_dim3A = vector.shape_cast %reduce_sum3A_47 : vector<1000xf32> to vector<1000x1xf32>
    %div3A = arith.constant 1.280000e+02 : f32
    %div3A_48 = vector.broadcast %div3A : f32 to vector<1000x1xf32>
    %div3A_49 = arith.divf %broadcast_in_dim3A, %div3A_48 : vector<1000x1xf32>
    %sub3A = vector.broadcast %div3A_49 : vector<1000x1xf32> to vector<1000x128xf32>
    %sub3A_50 = arith.subf %add3A_46, %sub3A : vector<1000x128xf32>
    %square3A = arith.mulf %sub3A_50, %sub3A_50 : vector<1000x128xf32>
    %reduce_sum3A_51 = arith.constant dense<0.000000e+00> : vector<1000xf32>
    %reduce_sum3A_52 = vector.multi_reduction <add>, %square3A, %reduce_sum3A_51 [1] : vector<1000x128xf32> to vector<1000xf32>
    %broadcast_in_dim3A_53 = vector.shape_cast %reduce_sum3A_52 : vector<1000xf32> to vector<1000x1xf32>
    %div3A_54 = arith.constant 1.280000e+02 : f32
    %div3A_55 = vector.broadcast %div3A_54 : f32 to vector<1000x1xf32>
    %div3A_56 = arith.divf %broadcast_in_dim3A_53, %div3A_55 : vector<1000x1xf32>
    %sub3A_57 = vector.broadcast %div3A_49 : vector<1000x1xf32> to vector<1000x128xf32>
    %sub3A_58 = arith.subf %add3A_46, %sub3A_57 : vector<1000x128xf32>
    %add3A_59 = arith.constant 9.99999974E-6 : f32
    %add3A_60 = vector.broadcast %add3A_59 : f32 to vector<1000x1xf32>
    %add3A_61 = arith.addf %div3A_56, %add3A_60 : vector<1000x1xf32>
    %rsqrt3A = math.rsqrt %add3A_61 : vector<1000x1xf32>
    %mul3A_62 = vector.broadcast %rsqrt3A : vector<1000x1xf32> to vector<1000x128xf32>
    %mul3A_63 = arith.mulf %sub3A_58, %mul3A_62 : vector<1000x128xf32>
    %get3A_64 = arith.constant 0 : index
    %get3A_65 = arith.constant 0 : index
    %get3A_66 = vector.load %arg8[%get3A_64, %get3A_65] : memref<1x128xf32, #tpu.memory_space<vmem>>, vector<1x128xf32>
    %mul3A_67 = vector.broadcast %get3A_66 : vector<1x128xf32> to vector<1000x128xf32>
    %mul3A_68 = arith.mulf %mul3A_63, %mul3A_67 : vector<1000x128xf32>
    %get3A_69 = arith.constant 0 : index
    %get3A_70 = arith.constant 0 : index
    %get3A_71 = vector.load %arg9[%get3A_69, %get3A_70] : memref<1x128xf32, #tpu.memory_space<vmem>>, vector<1x128xf32>
    %add3A_72 = vector.broadcast %get3A_71 : vector<1x128xf32> to vector<1000x128xf32>
    %add3A_73 = arith.addf %mul3A_68, %add3A_72 : vector<1000x128xf32>
    %swap3A = arith.constant 0 : index
    %swap3A_74 = arith.constant 0 : index
    %swap3A_75 = vector.load %arg10[%swap3A, %swap3A_74] : memref<1000x128xf32, #tpu.memory_space<vmem>>, vector<1000x128xf32>
    tpu.vector_store %arg10[%swap3A, %swap3A_74], %add3A_73 {strides = array<i32>} : memref<1000x128xf32, #tpu.memory_space<vmem>>, vector<1000x128xf32>,
    return
  }
  func.func @transform_0(%arg0: i32) -> i32 {
    %c0_i32 = arith.constant 0 : i32
    %c0_i32_0 = arith.constant 0 : i32
    return %c0_i32 : i32
  }
  func.func @transform_1(%arg0: i32) -> (i32, i32) {
    %c0_i32 = arith.constant 0 : i32
    %c0_i32_0 = arith.constant 0 : i32
    return %arg0, %c0_i32 : i32, i32
  }
  func.func @transform_2(%arg0: i32) -> (i32, i32, i32) {
    %c0_i32 = arith.constant 0 : i32
    %c0_i32_0 = arith.constant 0 : i32
    %c0_i32_1 = arith.constant 0 : i32
    return %c0_i32, %arg0, %c0_i32_0 : i32, i32, i32
  }
  func.func @transform_3(%arg0: i32) -> (i32, i32) {
    %c0_i32 = arith.constant 0 : i32
    %c0_i32_0 = arith.constant 0 : i32
    %c0_i32_1 = arith.constant 0 : i32
    return %c0_i32, %c0_i32_0 : i32, i32
  }
  func.func @transform_4(%arg0: i32) -> (i32, i32) {
    %c0_i32 = arith.constant 0 : i32
    %c0_i32_0 = arith.constant 0 : i32
    %c0_i32_1 = arith.constant 0 : i32
    return %c0_i32, %c0_i32_0 : i32, i32
  }
  func.func @transform_5(%arg0: i32) -> (i32, i32) {
    %c0_i32 = arith.constant 0 : i32
    %c0_i32_0 = arith.constant 0 : i32
    %c0_i32_1 = arith.constant 0 : i32
    return %c0_i32, %c0_i32_0 : i32, i32
  }
  func.func @transform_6(%arg0: i32) -> (i32, i32) {
    %c0_i32 = arith.constant 0 : i32
    %c0_i32_0 = arith.constant 0 : i32
    %c0_i32_1 = arith.constant 0 : i32
    return %c0_i32, %c0_i32_0 : i32, i32
  }
  func.func @transform_7(%arg0: i32) -> (i32, i32) {
    %c0_i32 = arith.constant 0 : i32
    %c0_i32_0 = arith.constant 0 : i32
    %c0_i32_1 = arith.constant 0 : i32
    return %c0_i32, %c0_i32_0 : i32, i32
  }
  func.func @transform_8(%arg0: i32) -> (i32, i32) {
    %c0_i32 = arith.constant 0 : i32
    %c0_i32_0 = arith.constant 0 : i32
    %c0_i32_1 = arith.constant 0 : i32
    return %c0_i32, %c0_i32_0 : i32, i32
  }
  func.func @transform_9(%arg0: i32) -> (i32, i32) {
    %c0_i32 = arith.constant 0 : i32
    %c0_i32_0 = arith.constant 0 : i32
    return %arg0, %c0_i32 : i32, i32
  }
}

</mosaic_0001>

<sc_bundles>
// kernel: kernel.4.cloned.1.call-start
scs
__scs_entry_jumppad:
0x0: {  	(pc) =	sbr.rel $0x88, $3  }
0x1: {  	(tag) =	ssettag $0x0;
	lr =	simm.s32 $0x1  }
0x2: {  	[smem:$0x3F98] =	sst lr;
	_ =	strace $0xD0000000  }
0x3: {  	_ = 	snop  }
0x4: {  	_ = 	snop  }
0x5: {  	_ = 	snop  }
0x6: {  	_ = 	snop  }
0x7: {  	_ = 	snop  }
__scs_overlays_trampoline_lowered:
0x8: {  	[smem:$0x3FA7] =	sst s0  }
0x9: {  	[smem:$0x3FA8] =	sst s1  }
0xa: {  	[smem:$0x3FA9] =	sst s2  }
0xb: {  	[smem:$0x3FAA] =	sst s3  }
0xc: {  	[smem:$0x3FAB] =	sst s4  }
0xd: {  	[smem:$0x3FAC] =	sst s5  }
0xe: {  	[smem:$0x3FAD] =	sst s6  }
0xf: {  	[smem:$0x3FAE] =	sst s7  }
0x10: {  	[smem:$0x3FAF] =	sst s8  }
0x11: {  	[smem:$0x3FB0] =	sst s9;
	s0 =	simm.s32 @!p0 $0x0  }
0x12: {  	s1 =	sld [smem:$0x3F96];
	s0 =	simm.s32 @p0 $0x1  }
0x13: {  	[smem:$0x3FB1] =	sst s0;
	s0 =	simm.s32 @!p1 $0x0  }
0x14: {  	s2 =	sld [smem:$0x3F95];
	s0 =	simm.s32 @p1 $0x1  }
0x15: {  	[smem:$0x3FB2] =	sst s0;
	s0 =	simm.s32 @!p2 $0x0  }
0x16: {  	s3 =	sld [smem:$0x3FDB];
	s0 =	simm.s32 @p2 $0x1  }
0x17: {  	s4 =	simm.s32 $0x1BF5;
	[smem:$0x3FB4] =	sst s0  }
0x18: {  	s0 =	sld [smem:$0x3F97];
	_ =	swait.ge [sflag:s4], $0x0  }
0x19: {  	s7 =	sld [smem:$0x3F98]  }
0x1a: {  	s8 =	sadd.s32 $0xFFFFE003, lr  }
0x1b: {  	s9 =	sadd.s32 $0xFFFFFEF7, lr;
	s5 =	simm.s32 $0xFFFFFFFF;
	p2 =	slt.u32 s8, $0xFFFFF086  }
0x1c: {  	p1 =	slt.u32 s9, $0xF7A;
	s5 =	simm.s32 @!p2 $0x0  }
0x1d: {  	s5 =	simm.s32 @p1 $0x1;
	p0 =	seq.s32 s7, s2  }
0x1e: {  	s7 =	smul.u32 @!p0 $0xF7A, s2;
	p2 =	seq.s32 @!p0 s5, $0x0  }
0x1f: {  	s9 =	smul.u32 $0xF7A, s1;
	s8 =	simm.s32 @!p0 $0x1BF5;
	p2 =	por !p2, p0  }
0x20: {  	[sflag:s8] =	ssyncset.s32 @!p0 $0xFFFFF086;
	s6 =	sadd.s32 @!p0 s3, s7;
	s7 =	simm.s32 @!p0 $0x108  }
0x21: {  	s3 =	sadd.s32 s3, s9;
	s6 =	sadd.s32 @!p0 $0x88, s6;
	s7 =	simm.s32 @p2 $0x1082  }
0x22: {  	[simem:s7], [sflag:s8] =	dma.local @!p0 [hbm:s6], $0xF7A  }
0x23: {  	s9 =	sor.u32 $0xD0000000, s2;
	s6 =	simm.s32 $0x108;
	_ =	swait.ge @!p0 [sflag:s8], $0x0  }
0x24: {  	s3 =	sadd.s32 $0x88, s3;
	s6 =	simm.s32 @!p1 $0x1082;
	[sflag:s4] =	ssyncset.s32 $0xFFFFF086  }
0x25: {  	[simem:s6], [sflag:s4] =	dma.local [hbm:s3], $0xF7A  }
0x26: {  	[smem:$0x3F98] =	sst s1;
	(tag) =	ssettag s2;
	_ =	strace s9  }
0x27: {  	s1 =	sld [smem:$0x3FA8]  }
0x28: {  	s2 =	sld [smem:$0x3FA9]  }
0x29: {  	s4 =	sld [smem:$0x3FAB]  }
0x2a: {  	p0 =	seq.s32 s5, $0x0;
	s5 =	sld [smem:$0x3FAC]  }
0x2b: {  	s6 =	sld [smem:$0x3FAD]  }
0x2c: {  	s7 =	sld [smem:$0x3FAE]  }
0x2d: {  	s3 =	simm.s32 $0x108;
	s8 =	sld [smem:$0x3FAF]  }
0x2e: {  	s3 =	simm.s32 @!p0 $0x1082;
	s9 =	sld [smem:$0x3FB0]  }
0x2f: {  	lr =	sadd.s32 s0, s3;
	s0 =	sld [smem:$0x3FA7]  }
0x30: {  	s3 =	sld [smem:$0x3FAA]  }
0x31: {  	[smem:$0x3FB3] =	sst s10  }
0x32: {  	s10 =	sld [smem:$0x3FB1];
	_ =	sdelay $0x3  }
0x33: {  	p0 =	seq.s32 s10, $0x1;
	s10 =	sld [smem:$0x3FB3];
	_ =	sdelay $0x3  }
0x34: {  	[smem:$0x3FB3] =	sst s10  }
0x35: {  	s10 =	sld [smem:$0x3FB2];
	_ =	sdelay $0x3  }
0x36: {  	p1 =	seq.s32 s10, $0x1;
	s10 =	sld [smem:$0x3FB3];
	_ =	sdelay $0x3  }
0x37: {  	[smem:$0x3FB3] =	sst s10  }
0x38: {  	s10 =	sld [smem:$0x3FB4]  }
0x39: {  	_ = 	snop;
	(pc) =	sbr.ind lr, $3  }
0x3a: {  	_ = 	snop  }
0x3b: {  	_ = 	snop  }
0x3c: {  	p2 =	seq.s32 s10, $0x1;
	s10 =	sld [smem:$0x3FB3]  }
0x3d: {  	_ =	shalt  }
0x3e: {  	_ =	shalt  }
0x3f: {  	_ =	shalt  }
0x40: {  	_ =	shalt  }
0x41: {  	_ =	shalt  }
0x42: {  	_ =	shalt  }
0x43: {  	_ =	shalt  }
0x44: {  	_ =	shalt  }
0x45: {  	_ =	shalt  }
0x46: {  	_ =	shalt  }
0x47: {  	_ =	shalt  }
0x48: {  	_ =	shalt  }
0x49: {  	_ =	shalt  }
0x4a: {  	_ =	shalt  }
0x4b: {  	_ =	shalt  }
0x4c: {  	_ =	shalt  }
0x4d: {  	_ =	shalt  }
0x4e: {  	_ =	shalt  }
0x4f: {  	_ =	shalt  }
0x50: {  	_ =	shalt  }
0x51: {  	_ =	shalt  }
0x52: {  	_ =	shalt  }
0x53: {  	_ =	shalt  }
0x54: {  	_ =	shalt  }
0x55: {  	_ =	shalt  }
0x56: {  	_ =	shalt  }
0x57: {  	_ =	shalt  }
0x58: {  	_ =	shalt  }
0x59: {  	_ =	shalt  }
0x5a: {  	_ =	shalt  }
0x5b: {  	_ =	shalt  }
0x5c: {  	_ =	shalt  }
0x5d: {  	_ =	shalt  }
0x5e: {  	_ =	shalt  }
0x5f: {  	_ =	shalt  }
0x60: {  	_ =	shalt  }
0x61: {  	_ =	shalt  }
0x62: {  	_ =	shalt  }
0x63: {  	_ =	shalt  }
0x64: {  	_ =	shalt  }
0x65: {  	_ =	shalt  }
0x66: {  	_ =	shalt  }
0x67: {  	_ =	shalt  }
0x68: {  	_ =	shalt  }
0x69: {  	_ =	shalt  }
0x6a: {  	_ =	shalt  }
0x6b: {  	_ =	shalt  }
0x6c: {  	_ =	shalt  }
0x6d: {  	_ =	shalt  }
0x6e: {  	_ =	shalt  }
0x6f: {  	_ =	shalt  }
0x70: {  	_ =	shalt  }
0x71: {  	_ =	shalt  }
0x72: {  	_ =	shalt  }
0x73: {  	_ =	shalt  }
0x74: {  	_ =	shalt  }
0x75: {  	_ =	shalt  }
0x76: {  	_ =	shalt  }
0x77: {  	_ =	shalt  }
0x78: {  	_ =	shalt  }
0x79: {  	_ =	shalt  }
0x7a: {  	_ =	shalt  }
0x7b: {  	_ =	shalt  }
0x7c: {  	_ =	shalt  }
0x7d: {  	_ =	shalt  }
0x7e: {  	_ =	shalt  }
0x7f: {  	_ =	shalt  }
0x80: {  	_ =	shalt  }
0x81: {  	_ =	shalt  }
0x82: {  	_ =	shalt  }
0x83: {  	_ =	shalt  }
0x84: {  	_ =	shalt  }
0x85: {  	_ =	shalt  }
0x86: {  	_ =	shalt  }
0x87: {  	_ =	shalt  }
.Lfunc_end0:
.L_simem_size_0:
called_computation_lowered:
.L_overlay_start_0:
0x88: {  	s2 =	sld [smem:$0x3FD9]  }
0x89: {  	s3 =	sld [smem:$0x3FFE];
	_ =	sdelay $0x1  }
0x8a: {  	s1 =	srdreg.scid  }
0x8b: {  	s0 =	sand.u32 $0x1, s1  }
0x8c: {  	s17 =	sshll.u32 s0, $0xA;
	s2 =	sadd.s32 s3, s2  }
0x8d: {  	s2 =	sadd.s32 s2, s17  }
0x8e: {  	[smem:$0x3FBF] =	sst s2  }
0x8f: {  	_ = 	snop  }
0x90: {  	s2 =	sld [smem:$0x3FC9]  }
0x91: {  	s18 =	sld [smem:$0x3FD0];
	(tm) =	ssettm $0x1  }
0x92: {  	s4 =	sld [smem:$0x3FFB];
	_ =	sdelay $0x3  }
0x93: {  	_ =	strace s4  }
0x94: {  	s4 =	sld [smem:$0x3FFC];
	_ =	sdelay $0x3  }
0x95: {  	_ =	strace s4  }
0x96: {  	s4 =	sld [smem:$0x3FFD];
	_ =	sdelay $0x3  }
0x97: {  	_ =	strace s4  }
0x98: {  	_ =	strace $0x8FFFFFFF  }
0x99: {  	s19 =	sld [smem:$0x3FDB];
	_ =	sdelay $0x1  }
0x9a: {  	s5 =	simm.s32 $_scs_section_size  }
0x9b: {  	s6 =	simm.s32 $_size__tile_overlayer_lowered;
	s7 =	simm.s32 $_tile_overlayer_lowered  }
0x9c: {  	s22 =	simm.s32 $0x1BFF;
	s21 =	sshll.u32 s7, $0x1;
	s4 =	sadd.s32 s5, s19  }
0x9d: {  	s8 =	simm.s32 $0x0;
	s20 =	sshll.u32 s6, $0x1;
	s6 =	sadd.s32 s21, s4  }
0x9e: {  	[timem:s8], [sflag:s22] =	dma.local [hbm:s6], s20  }
0x9f: {  	_ =	swait.ge [sflag:s22], s20  }
0xa0: {  	s5 =	ssub.s32 $0x0, s20;
	[sflag:s22] =	ssyncset.done $0x0  }
0xa1: {  	[sflag:s22] =	ssyncadd.s32 s5;
	_ =	sdelay $0x1  }
0xa2: {  	s23 =	simm.s32 $0x1B8B  }
0xa3: {  	_ =	swait.ge [sflag:s23], $0x1  }
0xa4: {  	[sflag:s23] =	ssyncset.done $0x0  }
0xa5: {  	s25 =	simm.s32 $0x1B8E;
	s24 =	sld [smem:$0x3FFE];
	[sflag:s23] =	ssyncadd.s32 $0xFFFFFFFF  }
0xa6: {  	s26 =	simm.s32 $execute0_lowered;
	[smem:$0x3FD2] =	sst s25  }
0xa7: {  	s6 =	sshll.u32 s26, $0x1;
	_ =	strace $0x80000046;
	[dreg:$0x1] =	wrdreg $0xFFFFFFFF  }
0xa8: {  	s28 =	simm.s32 $_size_execute0_lowered;
	s4 =	sadd.s32 s4, s6;
	[dreg:$0x0] =	wrdreg $0x0  }
0xa9: {  	s6 =	sshll.u32 s28, $0x1;
	[dreg:$0x2] =	wrdreg s4  }
0xaa: {  	[dreg:$0x3] =	wrdreg s6  }
0xab: {  	[dreg:$0x4] =	wrdreg $0xC0  }
0xac: {  	_ =	task [dreg:s8], $0x5FFFF  }
0xad: {  	[dreg:$0x1] =	wrdreg $0xFFFFFFFF  }
0xae: {  	[dreg:$0x0] =	wrdreg $0x60  }
0xaf: {  	[dreg:$0x2] =	wrdreg s18  }
0xb0: {  	[dreg:$0x3] =	wrdreg s24  }
0xb1: {  	[dreg:$0x4] =	wrdreg s2  }
0xb2: {  	[dreg:$0x5] =	wrdreg $0x90000  }
0xb3: {  	[dreg:$0x6] =	wrdreg $0x9  }
0xb4: {  	_ =	task.clear_ibuf [dreg:s8], $0x7FFFF;
	_ =	strace $0x90000046  }
0xb5: {  	s29 =	simm.s32 $0x9;
	_ =	strace $0x80000048  }
0xb6: {  	_ =	swait.ge [sflag:s29], $0x1  }
0xb7: {  	[sflag:s29] =	ssyncadd.s32 $0xFFFFFFFF  }
0xb8: {  	_ =	strace $0x90000048  }
0xb9: {  	_ =	sfence  }
0xba: {  	s30 =	sld [smem:$0x0];
	_ =	sdelay $0x2  }
0xbb: {  	s31 =	sshll.u32 s1, $0xD;
	s1 =	sshrl.u32 s1, $0x2  }
0xbc: {  	s3 =	sand.u32 $0x4000, s31;
	s1 =	sadd.s32 s1, s30  }
0xbd: {  	s0 =	sor.u32 s3, s0;
	s1 =	sshll.u32 s1, $0x11  }
0xbe: {  	s0 =	sor.u32 s1, s0  }
0xbf: {  	s0 =	sadd.s32 $0x8F2B, s0  }
0xc0: {  	[sflag:s0] =	ssyncadd.remote.s32 $0x1  }
0xc1: {  	_ =	sfence.sel $0xFFFF  }
0xc2: {  	[dreg:$0x0] =	wrdreg $0xFFFFFFFF;
	(pc) =	sbr.abs _section_cstart, $3  }
0xc3: {  	[dreg:$0x1] =	wrdreg $0xFFFFFFFF  }
0xc4: {  	_ =	task.clear_ibuf [dreg:s8], $0x2FFFF;
	_ =	strace $0x9FFFFFFF  }
0xc5: {  	(tm) =	ssettm $0x7FFFFFFF  }
tec
execute0_lowered:
.L_overlay_start_1:
0x0: {  	(tag) =	ssettag $0x1  }
0x1: {  	s7 =	rddreg [dreg:$0x0]  }
0x2: {  	s5 =	rddreg [dreg:$0x1]  }
0x3: {  	s1 =	srdreg.scid;
	s2 =	rddreg [dreg:$0x2]  }
0x4: {  	s0 =	stileid.u32;
	s3 =	rddreg [dreg:$0x3]  }
0x5: {  	s4 =	simm.s32 $0x0;
	s15 =	simm.s32 $0x5000;
	s16 =	simm.s32 $0x1  }
0x6: {  	s17 =	simm.s32 $0x0;
	s6 =	sand.u32 $0x1, s1;
	s9 =	smul.u32 $0x14000, s0  }
0x7: {  	s28 =	sshll.u32 s0, $0x1;
	[smem:$0x7FF] =	sst s4;
	s29 =	smul.u32 $0x50000, s0  }
0x8: {  	s31 =	sshll.u32 s0, $0x6;
	s1 =	sor.u32 s6, s28;
	s10 =	smul.u32 $0x140000, s6  }
0x9: {  	s6 =	ssub.s32 $0x2, s6;
	s8 =	smul.u32 $0x500, s1;
	s1 =	rddreg [dreg:$0x4]  }
0xa: {  	_ =	strace $0x80000047;
	s12 =	sshrl.u32 s9, $0x3;
	s13 =	sshrl.u32 s6, $0x1  }
0xb: {  	s30 =	sshrl.u32 s29, $0x2;
	s9 =	sadd.s32 s9, s10;
	s12 =	sadd.s32 s12, s5  }
0xc: {  	s13 =	ssub.s32 s6, s13;
	s14 =	sadd.s32 s30, s3;
	s6 =	sor.u32 $0x1C02, s31  }
0xd: {  	s11 =	sadd.s32 s8, s5;
	s9 =	sshrl.u32 s9, $0x3;
	s7 =	sadd.s32 s7, s8  }
0xe: {  	s10 =	smax.u32 s13, $0x1;
	s13 =	simm.s32 $0x2800;
	s9 =	sadd.s32 s9, s5  }
0xf: {  	s5 =	sadd.s32 $0xB200, s12;
	s8 =	sadd.s32 $0x1200, s11;
	s11 =	sshrl.u32 s14, $0x3  }
0x10: {  	s12 =	simm.s32 $0x2;
	s14 =	simm.s32 $0x80;
	s9 =	sadd.s32 $0x33200, s9  }
.LBB2_1:
0x11: {  	[spmem:s11], [sflag:s6] =	dma.local [hbm:s5], $0x2800  }
0x12: {  	_ =	swait.ge [sflag:s12], $0x2800  }
0x13: {  	[sflag:s12] =	ssyncset.done $0x0  }
0x14: {  	[sflag:s12] =	ssyncadd.s32 $0xFFFFD800  }
0x15: {  	[tilespmem:s4], [sflag:$0x2] =	stream.linear.gather [hbm4b:s7+s4], $0x2800, $0x38;
	[tilespmem:$0x1D000] =	vst v63  }
0x16: {  	_ =	swait.ge [sflag:s12], $0x2800  }
0x17: {  	[sflag:s12] =	ssyncset.done $0x0  }
0x18: {  	[sflag:s12] =	ssyncadd.s32 $0xFFFFD800  }
0x19: {  	[tilespmem:s13], [sflag:$0x2] =	stream.linear.gather [hbm4b:s8+s4], $0x2800, $0x38;
	[tilespmem:$0x1D000] =	vst v63  }
0x1a: {  	_ =	swait.ge [sflag:s12], $0x2800  }
0x1b: {  	[sflag:s12] =	ssyncset.done $0x0  }
0x1c: {  	[sflag:s12] =	ssyncadd.s32 $0xFFFFD800  }
0x1d: {  	s18 =	simm.s32 $0x0;
	[bflag:$0x0] =	sbarrier.arrive $0xFFFF  }
0x1e: {  	[tilespmem:s15], [sflag:$0x1] =	stream.indirect.gather [hbm4b:s2+s14], $0x80, s18, s14, $0xb8;
	[tilespmem:$0x1D000] =	vst v63  }
0x1f: {  	_ =	swait.ge [sflag:s16], $0x4000  }
0x20: {  	[sflag:s16] =	ssyncset.done $0x0  }
0x21: {  	s31 =	simm.s32 $0x2800;
	[sflag:s16] =	ssyncadd.s32 $0xFFFFC000  }
0x22: {  	[spmem:s3] =	stream.indirect.scatter.add.f32 [tilespmem:s15], [sflag:$0x2], $0x80, s31, s14, $0xb8;
	[tilespmem:$0x1D000] =	vst v63  }
0x23: {  	_ =	swait.ge [sflag:s12], $0x4000  }
0x24: {  	s19 =	simm.s32 $0x400;
	s18 =	simm.s32 $0x200;
	[sflag:s12] =	ssyncset.done $0x0  }
.LBB2_2:
0x25: {  	s20 =	sshra.s32 s18, $0x2  }
0x26: {  	[sflag:s12] =	ssyncadd.s32 $0xFFFFC000;
	s18 =	smov.u32 s19;
	s21 =	sadd.s32 $0x200, s19  }
0x27: {  	[tilespmem:s15], [sflag:$0x1] =	stream.indirect.gather [hbm4b:s2+s14], $0x80, s20, s14, $0xb8;
	[tilespmem:$0x1D000] =	vst v63  }
0x28: {  	p0 =	sne.s32 s19, $0x9E00;
	_ =	swait.ge [sflag:s16], $0x4000  }
.Ltmp0:
0x29: {  	[sflag:s16] =	ssyncset.done $0x0;
	(pc) =	sbr.rel @p0 .LBB2_2-.Ltmp0, $4  }
0x2a: {  	s19 =	sadd.s32 $0x2800, s20;
	[sflag:s16] =	ssyncadd.s32 $0xFFFFC000  }
0x2b: {  	[spmem:s3] =	stream.indirect.scatter.add.f32 [tilespmem:s15], [sflag:$0x2], $0x80, s19, s14, $0xb8;
	[tilespmem:$0x1D000] =	vst v63  }
0x2c: {  	_ =	swait.ge [sflag:s12], $0x4000  }
0x2d: {  	s19 =	smov.u32 s21;
	[sflag:s12] =	ssyncset.done $0x0  }
0x2e: {  	s18 =	sshra.s32 s18, $0x2;
	[sflag:s12] =	ssyncadd.s32 $0xFFFFC000  }
0x2f: {  	[tilespmem:s15], [sflag:$0x1] =	stream.indirect.gather [hbm4b:s2+s14], $0x80, s18, s14, $0xb8;
	[tilespmem:$0x1D000] =	vst v63  }
0x30: {  	_ =	swait.ge [sflag:s16], $0x4000  }
0x31: {  	[sflag:s16] =	ssyncset.done $0x0  }
0x32: {  	s18 =	sadd.s32 $0x2800, s18;
	[sflag:s16] =	ssyncadd.s32 $0xFFFFC000  }
0x33: {  	[spmem:s3] =	stream.indirect.scatter.add.f32 [tilespmem:s15], [sflag:$0x2], $0x80, s18, s14, $0xb8;
	[tilespmem:$0x1D000] =	vst v63  }
0x34: {  	_ =	swait.ge [sflag:s12], $0x4000  }
0x35: {  	s17 =	sadd.s32 $0x1, s17;
	[sflag:s12] =	ssyncset.done $0x0  }
0x36: {  	p0 =	sne.s32 s17, s10;
	[sflag:s12] =	ssyncadd.s32 $0xFFFFC000  }
.Ltmp1:
0x37: {  	[bflag:$0x0] =	sbarrier.arrive $0xFFFF;
	(pc) =	sbr.rel @p0 .LBB2_1-.Ltmp1, $4  }
0x38: {  	[hbm:s9], [sflag:s6] =	dma.local [spmem:s11], $0x2800  }
0x39: {  	_ =	swait.ge [sflag:s12], $0x2800  }
0x3a: {  	[sflag:s12] =	ssyncset.done $0x0  }
0x3b: {  	[sflag:s12] =	ssyncadd.s32 $0xFFFFD800  }
0x3c: {  	_ =	sfence.sel $0x180000  }
0x3d: {  	[bflag:$0x0] =	sbarrier.arrive $0xFFFF  }
0x3e: {  	p0 =	sne.s32 s0, $0x0;
	_ =	strace $0x90000047  }
0x3f: {  	s0 =	sadd.s32 @!p0 $0x100000, s1;
	[bflag:$0x2] =	sbarrier.arrive $0xFFFF  }
0x40: {  	[sflag:s0] =	ssyncadd.tile.s32 @!p0 $0x1;
	_ =	shalt  }
.Lfunc_end2:
_tile_overlayer_lowered:
.L_overlay_start_2:
0x41: {  	(tag) =	ssettag $0x2  }
0x42: {  	s0 =	rddreg [dreg:$0x0];
	s2 =	stileid.u32  }
0x43: {  	s1 =	rddreg [dreg:$0x1];
	p0 =	sne.s32 s2, $0x0  }
0x44: {  	s3 =	rddreg [dreg:$0x2];
	[bflag:$0x3] =	sbarrier.arrive $0xFFFF;
	s2 =	simm.s32 @!p0 $0x1C02  }
0x45: {  	[timem:s3], [sflag:s2] =	dma.local @!p0 [hbm:s0], s1  }
0x46: {  	s0 =	simm.s32 @!p0 $0x2  }
0x47: {  	_ =	swait.ge @!p0 [sflag:s0], s1  }
0x48: {  	s1 =	ssub.s32 @!p0 $0x0, s1;
	[sflag:s0] =	ssyncset.done @!p0 $0x0  }
0x49: {  	[sflag:s0] =	ssyncadd.s32 @!p0 s1  }
0x4a: {  	[bflag:$0x3] =	sbarrier.arrive $0xFFFF  }
0x4b: {  	_ =	shalt  }

</sc_bundles>
